<compile_context>
chip_gen: v7x
topology: tpu7x:2x2x1
jax: 0.10.2.dev20260603
libtpu: 0.0.44.dev20260713+nightly
codegen_flags: <defaults>
</compile_context>

<pallas_src>
import functools

import jax
import jax.numpy as jnp
from jax import lax
from jax.experimental import pallas as pl
from jax.experimental.pallas import tpu as pltpu
from jax.experimental.pallas import tpu_sc as plsc

_LANES = 16
_BLK = 128


def _demand_body(rows_per_w, num_cores, batch_hbm, a_hbm, b_hbm,
                 out_hbm, adump_hbm, idx_v, a_v, b_v, out_v):
    c = lax.axis_index("c")
    s = lax.axis_index("s")
    wid = s * num_cores + c
    base = wid * rows_per_w

    pltpu.sync_copy(a_hbm, a_v)
    pltpu.sync_copy(b_hbm, b_v)
    pltpu.sync_copy(batch_hbm.at[pl.ds(base * 2, rows_per_w * 2)], idx_v)

    iota = lax.iota(jnp.int32, _LANES)

    def step(n, carry):
        r = n * _BLK
        w = r * 2
        for t in range(_BLK // _LANES):
            iv = plsc.load_gather(idx_v, [w + t * _LANES + iota])
            jv = plsc.load_gather(idx_v, [w + _BLK + t * _LANES + iota])
            ai = plsc.load_gather(a_v, [iv])
            bj = plsc.load_gather(b_v, [jv])
            aj = plsc.load_gather(a_v, [jv])
            bi = plsc.load_gather(b_v, [iv])
            out_v[pl.ds(r + t * _LANES, _LANES)] = ai * bj + aj * bi
        return carry

    lax.fori_loop(0, rows_per_w // _BLK, step, 0)

    pltpu.sync_copy(out_v, out_hbm.at[pl.ds(base, rows_per_w)])
    pltpu.sync_copy(a_v, adump_hbm.at[wid])


def kernel(batch, A, B):
    n_rows = batch.shape[0]
    n_param = A.shape[0]

    info = plsc.get_sparse_core_info()
    num_cores, num_subcores = info.num_cores, info.num_subcores
    num_workers = num_cores * num_subcores
    rows_per_w = n_rows // num_workers

    batch_lin = jnp.transpose(
        batch.reshape(-1, _BLK, 2), (0, 2, 1)).reshape(-1)

    mesh = plsc.VectorSubcoreMesh(core_axis_name="c", subcore_axis_name="s")

    k = functools.partial(
        pl.kernel,
        mesh=mesh,
        out_type=(
            jax.ShapeDtypeStruct((n_rows,), jnp.float32),
            jax.ShapeDtypeStruct((num_workers, n_param), jnp.float32),
        ),
        scratch_types=[
            pltpu.VMEM((rows_per_w * 2,), jnp.int32),
            pltpu.VMEM((n_param,), jnp.float32),
            pltpu.VMEM((n_param,), jnp.float32),
            pltpu.VMEM((rows_per_w,), jnp.float32),
        ],
        compiler_params=pltpu.CompilerParams(needs_layout_passes=False),
    )(functools.partial(_demand_body, rows_per_w, num_cores))

    out, _ = k(batch_lin, A, B)
    return out

# --- scband reference (transcript-rebuilt; emitter-appended) ---
"""Pipeline reference for scband-demand-model-57647051047578 (READ-ONLY COPY).

The authoritative reference and input builder live on the scoring server;
editing this copy changes nothing except your own understanding.
"""

import jax, jax.numpy as jnp
import numpy as np

N = 4000

def setup_inputs(seed: int = 0) -> dict:
    key = jax.random.key(seed)
    k1, k2, k3 = jax.random.split(key, 3)
    batch = jax.random.randint(k1, (1048576, 2), 0, N, dtype=jnp.int64 if jax.config.jax_enable_x64 else jnp.int32)
    A = jax.random.uniform(k2, (N,), dtype=jnp.float32) * 50.0
    B = jax.random.uniform(k3, (N,), dtype=jnp.float32) * 50.0
    return {"batch": batch, "A": A, "B": B}

def reference(batch, A, B):
    i = batch[:, 0]
    j = batch[:, 1]
    # gather from parameter vectors, elementwise combine
    return jnp.take(A, i, axis=0) * jnp.take(B, j, axis=0) + jnp.take(A, j, axis=0) * jnp.take(B, i, axis=0)

if __name__ == "__main__":
    import jax
    _d = setup_inputs()
    print(jax.jit(kernel)(*tuple(_d.values())))

</pallas_src>

<mosaic_0001>
#map = affine_map<(d0, d1) -> (0)>
#map1 = affine_map<(d0, d1) -> (0, 0)>
module attributes {stable_mosaic.version = 14 : i64} {
  func.func @_demand_body(%arg0: i32, %arg1: i32, %arg2: memref<2097152xi32, #tpu.memory_space<hbm>>, %arg3: memref<4000xf32, #tpu.memory_space<hbm>>, %arg4: memref<4000xf32, #tpu.memory_space<hbm>>, %arg5: memref<1048576xf32, #tpu.memory_space<hbm>>, %arg6: memref<32x4000xf32, #tpu.memory_space<hbm>>, %arg7: memref<65536xi32, #tpu.memory_space<vmem>>, %arg8: memref<4000xf32, #tpu.memory_space<vmem>>, %arg9: memref<4000xf32, #tpu.memory_space<vmem>>, %arg10: memref<32768xf32, #tpu.memory_space<vmem>>) attributes {dimension_semantics = [#tpu.dimension_semantics<core_parallel>, #tpu.dimension_semantics<subcore_parallel>], iteration_bounds = array<i64: 2, 16>, scalar_prefetch = 0 : i64, scratch_operands = 4 : i64, tpu.core_type = #tpu.core_type<sc_vector_subcore>, window_params = [{transform_indices = #map}, {transform_indices = #map}, {transform_indices = #map}, {transform_indices = #map}, {transform_indices = #map1}]} {
    %mul3A = arith.constant 2 : i32
    %mul3A_0 = arith.muli %arg1, %mul3A : i32
    %add3A = arith.addi %mul3A_0, %arg0 : i32
    %mul3A_1 = arith.constant 32768 : i32
    %mul3A_2 = arith.muli %add3A, %mul3A_1 : i32
    "tpu.region"() ({
      %run_scoped3A = tpu.sem_alloc : memref<!tpu.dma_semaphore, #tpu.memory_space<semaphore_mem>>
      tpu.enqueue_dma source(%arg3 : memref<4000xf32, #tpu.memory_space<hbm>>) target(%arg8 : memref<4000xf32, #tpu.memory_space<vmem>>) target_semaphore(%run_scoped3A : memref<!tpu.dma_semaphore, #tpu.memory_space<semaphore_mem>>)
      tpu.wait_dma2 semaphore(%run_scoped3A : memref<!tpu.dma_semaphore, #tpu.memory_space<semaphore_mem>>) src(%arg3 : memref<4000xf32, #tpu.memory_space<hbm>>) dst(%arg8 : memref<4000xf32, #tpu.memory_space<vmem>>)
      tpu.yield
    }) : () -> ()
    "tpu.region"() ({
      %run_scoped3A = tpu.sem_alloc : memref<!tpu.dma_semaphore, #tpu.memory_space<semaphore_mem>>
      tpu.enqueue_dma source(%arg4 : memref<4000xf32, #tpu.memory_space<hbm>>) target(%arg9 : memref<4000xf32, #tpu.memory_space<vmem>>) target_semaphore(%run_scoped3A : memref<!tpu.dma_semaphore, #tpu.memory_space<semaphore_mem>>)
      tpu.wait_dma2 semaphore(%run_scoped3A : memref<!tpu.dma_semaphore, #tpu.memory_space<semaphore_mem>>) src(%arg4 : memref<4000xf32, #tpu.memory_space<hbm>>) dst(%arg9 : memref<4000xf32, #tpu.memory_space<vmem>>)
      tpu.yield
    }) : () -> ()
    %mul3A_3 = arith.constant 2 : i32
    %mul3A_4 = arith.muli %mul3A_2, %mul3A_3 : i32
    "tpu.region"() ({
      %run_scoped3A = tpu.sem_alloc : memref<!tpu.dma_semaphore, #tpu.memory_space<semaphore_mem>>
      %dma_start3A = tpu.memref_slice %arg2[%mul3A_4] : memref<2097152xi32, #tpu.memory_space<hbm>> -> memref<65536xi32, #tpu.memory_space<hbm>>
      %dma_start3A_10 = tpu.memref_slice %arg2[%mul3A_4] : memref<2097152xi32, #tpu.memory_space<hbm>> -> memref<65536xi32, #tpu.memory_space<hbm>>
      tpu.enqueue_dma source(%dma_start3A_10 : memref<65536xi32, #tpu.memory_space<hbm>>) target(%arg7 : memref<65536xi32, #tpu.memory_space<vmem>>) target_semaphore(%run_scoped3A : memref<!tpu.dma_semaphore, #tpu.memory_space<semaphore_mem>>)
      %dma_wait3A = tpu.memref_slice %arg2[%mul3A_4] : memref<2097152xi32, #tpu.memory_space<hbm>> -> memref<65536xi32, #tpu.memory_space<hbm>>
      %dma_wait3A_11 = tpu.memref_slice %arg2[%mul3A_4] : memref<2097152xi32, #tpu.memory_space<hbm>> -> memref<65536xi32, #tpu.memory_space<hbm>>
      tpu.wait_dma2 semaphore(%run_scoped3A : memref<!tpu.dma_semaphore, #tpu.memory_space<semaphore_mem>>) src(%dma_wait3A_11 : memref<65536xi32, #tpu.memory_space<hbm>>) dst(%arg7 : memref<65536xi32, #tpu.memory_space<vmem>>)
      tpu.yield
    }) : () -> ()
    %iota3A = tpu.iota {dimensions = array<i32: 0>} : vector<16xi32>
    %scan3A = arith.constant 0 : i32
    %scan3A_5 = arith.constant 0 : i32
    %scan3A_6 = arith.constant 256 : i32
    %scan3A_7 = arith.addi %scan3A_5, %scan3A_6 : i32
    %scan3A_8 = arith.constant 1 : i32
    scf.for %scan3A_10 = %scan3A_5 to %scan3A_7 step %scan3A_8  : i32 {
      %mul3A_11 = arith.constant 128 : i32
      %mul3A_12 = arith.muli %scan3A_10, %mul3A_11 : i32
      %mul3A_13 = arith.constant 2 : i32
      %mul3A_14 = arith.muli %mul3A_12, %mul3A_13 : i32
      %add3A_15 = arith.constant 0 : i32
      %add3A_16 = arith.addi %mul3A_14, %add3A_15 : i32
      %add3A_17 = vector.broadcast %add3A_16 : i32 to vector<16xi32>
      %add3A_18 = arith.addi %add3A_17, %iota3A : vector<16xi32>
      %gather3A = tpu.vector_load_idx %arg7[%add3A_18] : memref<65536xi32, #tpu.memory_space<vmem>>[vector<16xi32>], vector<16xi32>,
      %add3A_19 = arith.constant 128 : i32
      %add3A_20 = arith.addi %mul3A_14, %add3A_19 : i32
      %add3A_21 = arith.constant 0 : i32
      %add3A_22 = arith.addi %add3A_20, %add3A_21 : i32
      %add3A_23 = vector.broadcast %add3A_22 : i32 to vector<16xi32>
      %add3A_24 = arith.addi %add3A_23, %iota3A : vector<16xi32>
      %gather3A_25 = tpu.vector_load_idx %arg7[%add3A_24] : memref<65536xi32, #tpu.memory_space<vmem>>[vector<16xi32>], vector<16xi32>,
      %gather3A_26 = tpu.vector_load_idx %arg8[%gather3A] : memref<4000xf32, #tpu.memory_space<vmem>>[vector<16xi32>], vector<16xf32>,
      %gather3A_27 = tpu.vector_load_idx %arg9[%gather3A_25] : memref<4000xf32, #tpu.memory_space<vmem>>[vector<16xi32>], vector<16xf32>,
      %gather3A_28 = tpu.vector_load_idx %arg8[%gather3A_25] : memref<4000xf32, #tpu.memory_space<vmem>>[vector<16xi32>], vector<16xf32>,
      %gather3A_29 = tpu.vector_load_idx %arg9[%gather3A] : memref<4000xf32, #tpu.memory_space<vmem>>[vector<16xi32>], vector<16xf32>,
      %mul3A_30 = arith.mulf %gather3A_26, %gather3A_27 : vector<16xf32>
      %mul3A_31 = arith.mulf %gather3A_28, %gather3A_29 : vector<16xf32>
      %add3A_32 = arith.addf %mul3A_30, %mul3A_31 : vector<16xf32>
      %add3A_33 = arith.constant 0 : i32
      %add3A_34 = arith.addi %mul3A_12, %add3A_33 : i32
      %swap3A = arith.index_cast %add3A_34 : i32 to index
      %swap3A_35 = tpu.vector_load %arg10[%swap3A] {strides = array<i32>} : memref<32768xf32, #tpu.memory_space<vmem>>, vector<16xf32>,
      tpu.vector_store %arg10[%swap3A], %add3A_32 {strides = array<i32>} : memref<32768xf32, #tpu.memory_space<vmem>>, vector<16xf32>,
      %add3A_36 = arith.constant 16 : i32
      %add3A_37 = arith.addi %mul3A_14, %add3A_36 : i32
      %add3A_38 = vector.broadcast %add3A_37 : i32 to vector<16xi32>
      %add3A_39 = arith.addi %add3A_38, %iota3A : vector<16xi32>
      %gather3A_40 = tpu.vector_load_idx %arg7[%add3A_39] : memref<65536xi32, #tpu.memory_space<vmem>>[vector<16xi32>], vector<16xi32>,
      %add3A_41 = arith.constant 128 : i32
      %add3A_42 = arith.addi %mul3A_14, %add3A_41 : i32
      %add3A_43 = arith.constant 16 : i32
      %add3A_44 = arith.addi %add3A_42, %add3A_43 : i32
      %add3A_45 = vector.broadcast %add3A_44 : i32 to vector<16xi32>
      %add3A_46 = arith.addi %add3A_45, %iota3A : vector<16xi32>
      %gather3A_47 = tpu.vector_load_idx %arg7[%add3A_46] : memref<65536xi32, #tpu.memory_space<vmem>>[vector<16xi32>], vector<16xi32>,
      %gather3A_48 = tpu.vector_load_idx %arg8[%gather3A_40] : memref<4000xf32, #tpu.memory_space<vmem>>[vector<16xi32>], vector<16xf32>,
      %gather3A_49 = tpu.vector_load_idx %arg9[%gather3A_47] : memref<4000xf32, #tpu.memory_space<vmem>>[vector<16xi32>], vector<16xf32>,
      %gather3A_50 = tpu.vector_load_idx %arg8[%gather3A_47] : memref<4000xf32, #tpu.memory_space<vmem>>[vector<16xi32>], vector<16xf32>,
      %gather3A_51 = tpu.vector_load_idx %arg9[%gather3A_40] : memref<4000xf32, #tpu.memory_space<vmem>>[vector<16xi32>], vector<16xf32>,
      %mul3A_52 = arith.mulf %gather3A_48, %gather3A_49 : vector<16xf32>
      %mul3A_53 = arith.mulf %gather3A_50, %gather3A_51 : vector<16xf32>
      %add3A_54 = arith.addf %mul3A_52, %mul3A_53 : vector<16xf32>
      %add3A_55 = arith.constant 16 : i32
      %add3A_56 = arith.addi %mul3A_12, %add3A_55 : i32
      %swap3A_57 = arith.index_cast %add3A_56 : i32 to index
      %swap3A_58 = tpu.vector_load %arg10[%swap3A_57] {strides = array<i32>} : memref<32768xf32, #tpu.memory_space<vmem>>, vector<16xf32>,
      tpu.vector_store %arg10[%swap3A_57], %add3A_54 {strides = array<i32>} : memref<32768xf32, #tpu.memory_space<vmem>>, vector<16xf32>,
      %add3A_59 = arith.constant 32 : i32
      %add3A_60 = arith.addi %mul3A_14, %add3A_59 : i32
      %add3A_61 = vector.broadcast %add3A_60 : i32 to vector<16xi32>
      %add3A_62 = arith.addi %add3A_61, %iota3A : vector<16xi32>
      %gather3A_63 = tpu.vector_load_idx %arg7[%add3A_62] : memref<65536xi32, #tpu.memory_space<vmem>>[vector<16xi32>], vector<16xi32>,
      %add3A_64 = arith.constant 128 : i32
      %add3A_65 = arith.addi %mul3A_14, %add3A_64 : i32
      %add3A_66 = arith.constant 32 : i32
      %add3A_67 = arith.addi %add3A_65, %add3A_66 : i32
      %add3A_68 = vector.broadcast %add3A_67 : i32 to vector<16xi32>
      %add3A_69 = arith.addi %add3A_68, %iota3A : vector<16xi32>
      %gather3A_70 = tpu.vector_load_idx %arg7[%add3A_69] : memref<65536xi32, #tpu.memory_space<vmem>>[vector<16xi32>], vector<16xi32>,
      %gather3A_71 = tpu.vector_load_idx %arg8[%gather3A_63] : memref<4000xf32, #tpu.memory_space<vmem>>[vector<16xi32>], vector<16xf32>,
      %gather3A_72 = tpu.vector_load_idx %arg9[%gather3A_70] : memref<4000xf32, #tpu.memory_space<vmem>>[vector<16xi32>], vector<16xf32>,
      %gather3A_73 = tpu.vector_load_idx %arg8[%gather3A_70] : memref<4000xf32, #tpu.memory_space<vmem>>[vector<16xi32>], vector<16xf32>,
      %gather3A_74 = tpu.vector_load_idx %arg9[%gather3A_63] : memref<4000xf32, #tpu.memory_space<vmem>>[vector<16xi32>], vector<16xf32>,
      %mul3A_75 = arith.mulf %gather3A_71, %gather3A_72 : vector<16xf32>
      %mul3A_76 = arith.mulf %gather3A_73, %gather3A_74 : vector<16xf32>
      %add3A_77 = arith.addf %mul3A_75, %mul3A_76 : vector<16xf32>
      %add3A_78 = arith.constant 32 : i32
      %add3A_79 = arith.addi %mul3A_12, %add3A_78 : i32
      %swap3A_80 = arith.index_cast %add3A_79 : i32 to index
      %swap3A_81 = tpu.vector_load %arg10[%swap3A_80] {strides = array<i32>} : memref<32768xf32, #tpu.memory_space<vmem>>, vector<16xf32>,
      tpu.vector_store %arg10[%swap3A_80], %add3A_77 {strides = array<i32>} : memref<32768xf32, #tpu.memory_space<vmem>>, vector<16xf32>,
      %add3A_82 = arith.constant 48 : i32
      %add3A_83 = arith.addi %mul3A_14, %add3A_82 : i32
      %add3A_84 = vector.broadcast %add3A_83 : i32 to vector<16xi32>
      %add3A_85 = arith.addi %add3A_84, %iota3A : vector<16xi32>
      %gather3A_86 = tpu.vector_load_idx %arg7[%add3A_85] : memref<65536xi32, #tpu.memory_space<vmem>>[vector<16xi32>], vector<16xi32>,
      %add3A_87 = arith.constant 128 : i32
      %add3A_88 = arith.addi %mul3A_14, %add3A_87 : i32
      %add3A_89 = arith.constant 48 : i32
      %add3A_90 = arith.addi %add3A_88, %add3A_89 : i32
      %add3A_91 = vector.broadcast %add3A_90 : i32 to vector<16xi32>
      %add3A_92 = arith.addi %add3A_91, %iota3A : vector<16xi32>
      %gather3A_93 = tpu.vector_load_idx %arg7[%add3A_92] : memref<65536xi32, #tpu.memory_space<vmem>>[vector<16xi32>], vector<16xi32>,
      %gather3A_94 = tpu.vector_load_idx %arg8[%gather3A_86] : memref<4000xf32, #tpu.memory_space<vmem>>[vector<16xi32>], vector<16xf32>,
      %gather3A_95 = tpu.vector_load_idx %arg9[%gather3A_93] : memref<4000xf32, #tpu.memory_space<vmem>>[vector<16xi32>], vector<16xf32>,
      %gather3A_96 = tpu.vector_load_idx %arg8[%gather3A_93] : memref<4000xf32, #tpu.memory_space<vmem>>[vector<16xi32>], vector<16xf32>,
      %gather3A_97 = tpu.vector_load_idx %arg9[%gather3A_86] : memref<4000xf32, #tpu.memory_space<vmem>>[vector<16xi32>], vector<16xf32>,
      %mul3A_98 = arith.mulf %gather3A_94, %gather3A_95 : vector<16xf32>
      %mul3A_99 = arith.mulf %gather3A_96, %gather3A_97 : vector<16xf32>
      %add3A_100 = arith.addf %mul3A_98, %mul3A_99 : vector<16xf32>
      %add3A_101 = arith.constant 48 : i32
      %add3A_102 = arith.addi %mul3A_12, %add3A_101 : i32
      %swap3A_103 = arith.index_cast %add3A_102 : i32 to index
      %swap3A_104 = tpu.vector_load %arg10[%swap3A_103] {strides = array<i32>} : memref<32768xf32, #tpu.memory_space<vmem>>, vector<16xf32>,
      tpu.vector_store %arg10[%swap3A_103], %add3A_100 {strides = array<i32>} : memref<32768xf32, #tpu.memory_space<vmem>>, vector<16xf32>,
      %add3A_105 = arith.constant 64 : i32
      %add3A_106 = arith.addi %mul3A_14, %add3A_105 : i32
      %add3A_107 = vector.broadcast %add3A_106 : i32 to vector<16xi32>
      %add3A_108 = arith.addi %add3A_107, %iota3A : vector<16xi32>
      %gather3A_109 = tpu.vector_load_idx %arg7[%add3A_108] : memref<65536xi32, #tpu.memory_space<vmem>>[vector<16xi32>], vector<16xi32>,
      %add3A_110 = arith.constant 128 : i32
      %add3A_111 = arith.addi %mul3A_14, %add3A_110 : i32
      %add3A_112 = arith.constant 64 : i32
      %add3A_113 = arith.addi %add3A_111, %add3A_112 : i32
      %add3A_114 = vector.broadcast %add3A_113 : i32 to vector<16xi32>
      %add3A_115 = arith.addi %add3A_114, %iota3A : vector<16xi32>
      %gather3A_116 = tpu.vector_load_idx %arg7[%add3A_115] : memref<65536xi32, #tpu.memory_space<vmem>>[vector<16xi32>], vector<16xi32>,
      %gather3A_117 = tpu.vector_load_idx %arg8[%gather3A_109] : memref<4000xf32, #tpu.memory_space<vmem>>[vector<16xi32>], vector<16xf32>,
      %gather3A_118 = tpu.vector_load_idx %arg9[%gather3A_116] : memref<4000xf32, #tpu.memory_space<vmem>>[vector<16xi32>], vector<16xf32>,
      %gather3A_119 = tpu.vector_load_idx %arg8[%gather3A_116] : memref<4000xf32, #tpu.memory_space<vmem>>[vector<16xi32>], vector<16xf32>,
      %gather3A_120 = tpu.vector_load_idx %arg9[%gather3A_109] : memref<4000xf32, #tpu.memory_space<vmem>>[vector<16xi32>], vector<16xf32>,
      %mul3A_121 = arith.mulf %gather3A_117, %gather3A_118 : vector<16xf32>
      %mul3A_122 = arith.mulf %gather3A_119, %gather3A_120 : vector<16xf32>
      %add3A_123 = arith.addf %mul3A_121, %mul3A_122 : vector<16xf32>
      %add3A_124 = arith.constant 64 : i32
      %add3A_125 = arith.addi %mul3A_12, %add3A_124 : i32
      %swap3A_126 = arith.index_cast %add3A_125 : i32 to index
      %swap3A_127 = tpu.vector_load %arg10[%swap3A_126] {strides = array<i32>} : memref<32768xf32, #tpu.memory_space<vmem>>, vector<16xf32>,
      tpu.vector_store %arg10[%swap3A_126], %add3A_123 {strides = array<i32>} : memref<32768xf32, #tpu.memory_space<vmem>>, vector<16xf32>,
      %add3A_128 = arith.constant 80 : i32
      %add3A_129 = arith.addi %mul3A_14, %add3A_128 : i32
      %add3A_130 = vector.broadcast %add3A_129 : i32 to vector<16xi32>
      %add3A_131 = arith.addi %add3A_130, %iota3A : vector<16xi32>
      %gather3A_132 = tpu.vector_load_idx %arg7[%add3A_131] : memref<65536xi32, #tpu.memory_space<vmem>>[vector<16xi32>], vector<16xi32>,
      %add3A_133 = arith.constant 128 : i32
      %add3A_134 = arith.addi %mul3A_14, %add3A_133 : i32
      %add3A_135 = arith.constant 80 : i32
      %add3A_136 = arith.addi %add3A_134, %add3A_135 : i32
      %add3A_137 = vector.broadcast %add3A_136 : i32 to vector<16xi32>
      %add3A_138 = arith.addi %add3A_137, %iota3A : vector<16xi32>
      %gather3A_139 = tpu.vector_load_idx %arg7[%add3A_138] : memref<65536xi32, #tpu.memory_space<vmem>>[vector<16xi32>], vector<16xi32>,
      %gather3A_140 = tpu.vector_load_idx %arg8[%gather3A_132] : memref<4000xf32, #tpu.memory_space<vmem>>[vector<16xi32>], vector<16xf32>,
      %gather3A_141 = tpu.vector_load_idx %arg9[%gather3A_139] : memref<4000xf32, #tpu.memory_space<vmem>>[vector<16xi32>], vector<16xf32>,
      %gather3A_142 = tpu.vector_load_idx %arg8[%gather3A_139] : memref<4000xf32, #tpu.memory_space<vmem>>[vector<16xi32>], vector<16xf32>,
      %gather3A_143 = tpu.vector_load_idx %arg9[%gather3A_132] : memref<4000xf32, #tpu.memory_space<vmem>>[vector<16xi32>], vector<16xf32>,
      %mul3A_144 = arith.mulf %gather3A_140, %gather3A_141 : vector<16xf32>
      %mul3A_145 = arith.mulf %gather3A_142, %gather3A_143 : vector<16xf32>
      %add3A_146 = arith.addf %mul3A_144, %mul3A_145 : vector<16xf32>
      %add3A_147 = arith.constant 80 : i32
      %add3A_148 = arith.addi %mul3A_12, %add3A_147 : i32
      %swap3A_149 = arith.index_cast %add3A_148 : i32 to index
      %swap3A_150 = tpu.vector_load %arg10[%swap3A_149] {strides = array<i32>} : memref<32768xf32, #tpu.memory_space<vmem>>, vector<16xf32>,
      tpu.vector_store %arg10[%swap3A_149], %add3A_146 {strides = array<i32>} : memref<32768xf32, #tpu.memory_space<vmem>>, vector<16xf32>,
      %add3A_151 = arith.constant 96 : i32
      %add3A_152 = arith.addi %mul3A_14, %add3A_151 : i32
      %add3A_153 = vector.broadcast %add3A_152 : i32 to vector<16xi32>
      %add3A_154 = arith.addi %add3A_153, %iota3A : vector<16xi32>
      %gather3A_155 = tpu.vector_load_idx %arg7[%add3A_154] : memref<65536xi32, #tpu.memory_space<vmem>>[vector<16xi32>], vector<16xi32>,
      %add3A_156 = arith.constant 128 : i32
      %add3A_157 = arith.addi %mul3A_14, %add3A_156 : i32
      %add3A_158 = arith.constant 96 : i32
      %add3A_159 = arith.addi %add3A_157, %add3A_158 : i32
      %add3A_160 = vector.broadcast %add3A_159 : i32 to vector<16xi32>
      %add3A_161 = arith.addi %add3A_160, %iota3A : vector<16xi32>
      %gather3A_162 = tpu.vector_load_idx %arg7[%add3A_161] : memref<65536xi32, #tpu.memory_space<vmem>>[vector<16xi32>], vector<16xi32>,
      %gather3A_163 = tpu.vector_load_idx %arg8[%gather3A_155] : memref<4000xf32, #tpu.memory_space<vmem>>[vector<16xi32>], vector<16xf32>,
      %gather3A_164 = tpu.vector_load_idx %arg9[%gather3A_162] : memref<4000xf32, #tpu.memory_space<vmem>>[vector<16xi32>], vector<16xf32>,
      %gather3A_165 = tpu.vector_load_idx %arg8[%gather3A_162] : memref<4000xf32, #tpu.memory_space<vmem>>[vector<16xi32>], vector<16xf32>,
      %gather3A_166 = tpu.vector_load_idx %arg9[%gather3A_155] : memref<4000xf32, #tpu.memory_space<vmem>>[vector<16xi32>], vector<16xf32>,
      %mul3A_167 = arith.mulf %gather3A_163, %gather3A_164 : vector<16xf32>
      %mul3A_168 = arith.mulf %gather3A_165, %gather3A_166 : vector<16xf32>
      %add3A_169 = arith.addf %mul3A_167, %mul3A_168 : vector<16xf32>
      %add3A_170 = arith.constant 96 : i32
      %add3A_171 = arith.addi %mul3A_12, %add3A_170 : i32
      %swap3A_172 = arith.index_cast %add3A_171 : i32 to index
      %swap3A_173 = tpu.vector_load %arg10[%swap3A_172] {strides = array<i32>} : memref<32768xf32, #tpu.memory_space<vmem>>, vector<16xf32>,
      tpu.vector_store %arg10[%swap3A_172], %add3A_169 {strides = array<i32>} : memref<32768xf32, #tpu.memory_space<vmem>>, vector<16xf32>,
      %add3A_174 = arith.constant 112 : i32
      %add3A_175 = arith.addi %mul3A_14, %add3A_174 : i32
      %add3A_176 = vector.broadcast %add3A_175 : i32 to vector<16xi32>
      %add3A_177 = arith.addi %add3A_176, %iota3A : vector<16xi32>
      %gather3A_178 = tpu.vector_load_idx %arg7[%add3A_177] : memref<65536xi32, #tpu.memory_space<vmem>>[vector<16xi32>], vector<16xi32>,
      %add3A_179 = arith.constant 128 : i32
      %add3A_180 = arith.addi %mul3A_14, %add3A_179 : i32
      %add3A_181 = arith.constant 112 : i32
      %add3A_182 = arith.addi %add3A_180, %add3A_181 : i32
      %add3A_183 = vector.broadcast %add3A_182 : i32 to vector<16xi32>
      %add3A_184 = arith.addi %add3A_183, %iota3A : vector<16xi32>
      %gather3A_185 = tpu.vector_load_idx %arg7[%add3A_184] : memref<65536xi32, #tpu.memory_space<vmem>>[vector<16xi32>], vector<16xi32>,
      %gather3A_186 = tpu.vector_load_idx %arg8[%gather3A_178] : memref<4000xf32, #tpu.memory_space<vmem>>[vector<16xi32>], vector<16xf32>,
      %gather3A_187 = tpu.vector_load_idx %arg9[%gather3A_185] : memref<4000xf32, #tpu.memory_space<vmem>>[vector<16xi32>], vector<16xf32>,
      %gather3A_188 = tpu.vector_load_idx %arg8[%gather3A_185] : memref<4000xf32, #tpu.memory_space<vmem>>[vector<16xi32>], vector<16xf32>,
      %gather3A_189 = tpu.vector_load_idx %arg9[%gather3A_178] : memref<4000xf32, #tpu.memory_space<vmem>>[vector<16xi32>], vector<16xf32>,
      %mul3A_190 = arith.mulf %gather3A_186, %gather3A_187 : vector<16xf32>
      %mul3A_191 = arith.mulf %gather3A_188, %gather3A_189 : vector<16xf32>
      %add3A_192 = arith.addf %mul3A_190, %mul3A_191 : vector<16xf32>
      %add3A_193 = arith.constant 112 : i32
      %add3A_194 = arith.addi %mul3A_12, %add3A_193 : i32
      %swap3A_195 = arith.index_cast %add3A_194 : i32 to index
      %swap3A_196 = tpu.vector_load %arg10[%swap3A_195] {strides = array<i32>} : memref<32768xf32, #tpu.memory_space<vmem>>, vector<16xf32>,
      tpu.vector_store %arg10[%swap3A_195], %add3A_192 {strides = array<i32>} : memref<32768xf32, #tpu.memory_space<vmem>>, vector<16xf32>,
    }
    %scan3A_9 = arith.constant 256 : i32
    "tpu.region"() ({
      %run_scoped3A = tpu.sem_alloc : memref<!tpu.dma_semaphore, #tpu.memory_space<semaphore_mem>>
      %dma_start3A = tpu.memref_slice %arg5[%mul3A_2] : memref<1048576xf32, #tpu.memory_space<hbm>> -> memref<32768xf32, #tpu.memory_space<hbm>>
      %dma_start3A_10 = tpu.memref_slice %arg5[%mul3A_2] : memref<1048576xf32, #tpu.memory_space<hbm>> -> memref<32768xf32, #tpu.memory_space<hbm>>
      tpu.enqueue_dma source(%arg10 : memref<32768xf32, #tpu.memory_space<vmem>>) target(%dma_start3A_10 : memref<32768xf32, #tpu.memory_space<hbm>>) target_semaphore(%run_scoped3A : memref<!tpu.dma_semaphore, #tpu.memory_space<semaphore_mem>>)
      %dma_wait3A = tpu.memref_slice %arg5[%mul3A_2] : memref<1048576xf32, #tpu.memory_space<hbm>> -> memref<32768xf32, #tpu.memory_space<hbm>>
      %dma_wait3A_11 = tpu.memref_slice %arg5[%mul3A_2] : memref<1048576xf32, #tpu.memory_space<hbm>> -> memref<32768xf32, #tpu.memory_space<hbm>>
      tpu.wait_dma2 semaphore(%run_scoped3A : memref<!tpu.dma_semaphore, #tpu.memory_space<semaphore_mem>>) src(%arg10 : memref<32768xf32, #tpu.memory_space<vmem>>) dst(%dma_wait3A_11 : memref<32768xf32, #tpu.memory_space<hbm>>)
      tpu.yield
    }) : () -> ()
    "tpu.region"() ({
      %run_scoped3A = tpu.sem_alloc : memref<!tpu.dma_semaphore, #tpu.memory_space<semaphore_mem>>
      %dma_start3A = arith.constant 0 : i32
      %dma_start3A_10 = tpu.memref_slice %arg6[%add3A, %dma_start3A] : memref<32x4000xf32, #tpu.memory_space<hbm>> -> memref<1x4000xf32, #tpu.memory_space<hbm>>
      %dma_start3A_11 = tpu.memref_squeeze %dma_start3A_10 : memref<1x4000xf32, #tpu.memory_space<hbm>> -> memref<4000xf32, #tpu.memory_space<hbm>>
      %dma_start3A_12 = arith.constant 0 : i32
      %dma_start3A_13 = tpu.memref_slice %arg6[%add3A, %dma_start3A_12] : memref<32x4000xf32, #tpu.memory_space<hbm>> -> memref<1x4000xf32, #tpu.memory_space<hbm>>
      %dma_start3A_14 = tpu.memref_squeeze %dma_start3A_13 : memref<1x4000xf32, #tpu.memory_space<hbm>> -> memref<4000xf32, #tpu.memory_space<hbm>>
      tpu.enqueue_dma source(%arg8 : memref<4000xf32, #tpu.memory_space<vmem>>) target(%dma_start3A_14 : memref<4000xf32, #tpu.memory_space<hbm>>) target_semaphore(%run_scoped3A : memref<!tpu.dma_semaphore, #tpu.memory_space<semaphore_mem>>)
      %dma_wait3A = arith.constant 0 : i32
      %dma_wait3A_15 = tpu.memref_slice %arg6[%add3A, %dma_wait3A] : memref<32x4000xf32, #tpu.memory_space<hbm>> -> memref<1x4000xf32, #tpu.memory_space<hbm>>
      %dma_wait3A_16 = tpu.memref_squeeze %dma_wait3A_15 : memref<1x4000xf32, #tpu.memory_space<hbm>> -> memref<4000xf32, #tpu.memory_space<hbm>>
      %dma_wait3A_17 = arith.constant 0 : i32
      %dma_wait3A_18 = tpu.memref_slice %arg6[%add3A, %dma_wait3A_17] : memref<32x4000xf32, #tpu.memory_space<hbm>> -> memref<1x4000xf32, #tpu.memory_space<hbm>>
      %dma_wait3A_19 = tpu.memref_squeeze %dma_wait3A_18 : memref<1x4000xf32, #tpu.memory_space<hbm>> -> memref<4000xf32, #tpu.memory_space<hbm>>
      tpu.wait_dma2 semaphore(%run_scoped3A : memref<!tpu.dma_semaphore, #tpu.memory_space<semaphore_mem>>) src(%arg8 : memref<4000xf32, #tpu.memory_space<vmem>>) dst(%dma_wait3A_19 : memref<4000xf32, #tpu.memory_space<hbm>>)
      tpu.yield
    }) : () -> ()
    return
  }
}

</mosaic_0001>

<sc_bundles>
// kernel: kernel.3.cloned.1.call-start
scs
__scs_entry_jumppad:
0x0: {  	(pc) =	sbr.rel $0x88, $3  }
0x1: {  	(tag) =	ssettag $0x0;
	lr =	simm.s32 $0x1  }
0x2: {  	[smem:$0x3F9E] =	sst lr;
	_ =	strace $0xD0000000  }
0x3: {  	_ = 	snop  }
0x4: {  	_ = 	snop  }
0x5: {  	_ = 	snop  }
0x6: {  	_ = 	snop  }
0x7: {  	_ = 	snop  }
__scs_overlays_trampoline_lowered:
0x8: {  	[smem:$0x3FAD] =	sst s0  }
0x9: {  	[smem:$0x3FAE] =	sst s1  }
0xa: {  	[smem:$0x3FAF] =	sst s2  }
0xb: {  	[smem:$0x3FB0] =	sst s3  }
0xc: {  	[smem:$0x3FB1] =	sst s4  }
0xd: {  	[smem:$0x3FB2] =	sst s5  }
0xe: {  	[smem:$0x3FB3] =	sst s6  }
0xf: {  	[smem:$0x3FB4] =	sst s7  }
0x10: {  	[smem:$0x3FB5] =	sst s8  }
0x11: {  	[smem:$0x3FB6] =	sst s9;
	s0 =	simm.s32 @!p0 $0x0  }
0x12: {  	s1 =	sld [smem:$0x3F9C];
	s0 =	simm.s32 @p0 $0x1  }
0x13: {  	[smem:$0x3FB7] =	sst s0;
	s0 =	simm.s32 @!p1 $0x0  }
0x14: {  	s2 =	sld [smem:$0x3F9B];
	s0 =	simm.s32 @p1 $0x1  }
0x15: {  	[smem:$0x3FB8] =	sst s0;
	s0 =	simm.s32 @!p2 $0x0  }
0x16: {  	s3 =	sld [smem:$0x3FDB];
	s0 =	simm.s32 @p2 $0x1  }
0x17: {  	s4 =	simm.s32 $0x1BF5;
	[smem:$0x3FBA] =	sst s0  }
0x18: {  	s0 =	sld [smem:$0x3F9D];
	_ =	swait.ge [sflag:s4], $0x0  }
0x19: {  	s7 =	sld [smem:$0x3F9E]  }
0x1a: {  	s8 =	sadd.s32 $0xFFFFE003, lr  }
0x1b: {  	s9 =	sadd.s32 $0xFFFFFEF7, lr;
	s5 =	simm.s32 $0xFFFFFFFF;
	p2 =	slt.u32 s8, $0xFFFFF086  }
0x1c: {  	p1 =	slt.u32 s9, $0xF7A;
	s5 =	simm.s32 @!p2 $0x0  }
0x1d: {  	s5 =	simm.s32 @p1 $0x1;
	p0 =	seq.s32 s7, s2  }
0x1e: {  	s7 =	smul.u32 @!p0 $0xF7A, s2;
	p2 =	seq.s32 @!p0 s5, $0x0  }
0x1f: {  	s9 =	smul.u32 $0xF7A, s1;
	s8 =	simm.s32 @!p0 $0x1BF5;
	p2 =	por !p2, p0  }
0x20: {  	[sflag:s8] =	ssyncset.s32 @!p0 $0xFFFFF086;
	s6 =	sadd.s32 @!p0 s3, s7;
	s7 =	simm.s32 @!p0 $0x108  }
0x21: {  	s3 =	sadd.s32 s3, s9;
	s6 =	sadd.s32 @!p0 $0x88, s6;
	s7 =	simm.s32 @p2 $0x1082  }
0x22: {  	[simem:s7], [sflag:s8] =	dma.local @!p0 [hbm:s6], $0xF7A  }
0x23: {  	s9 =	sor.u32 $0xD0000000, s2;
	s6 =	simm.s32 $0x108;
	_ =	swait.ge @!p0 [sflag:s8], $0x0  }
0x24: {  	s3 =	sadd.s32 $0x88, s3;
	s6 =	simm.s32 @!p1 $0x1082;
	[sflag:s4] =	ssyncset.s32 $0xFFFFF086  }
0x25: {  	[simem:s6], [sflag:s4] =	dma.local [hbm:s3], $0xF7A  }
0x26: {  	[smem:$0x3F9E] =	sst s1;
	(tag) =	ssettag s2;
	_ =	strace s9  }
0x27: {  	s1 =	sld [smem:$0x3FAE]  }
0x28: {  	s2 =	sld [smem:$0x3FAF]  }
0x29: {  	s4 =	sld [smem:$0x3FB1]  }
0x2a: {  	p0 =	seq.s32 s5, $0x0;
	s5 =	sld [smem:$0x3FB2]  }
0x2b: {  	s6 =	sld [smem:$0x3FB3]  }
0x2c: {  	s7 =	sld [smem:$0x3FB4]  }
0x2d: {  	s3 =	simm.s32 $0x108;
	s8 =	sld [smem:$0x3FB5]  }
0x2e: {  	s3 =	simm.s32 @!p0 $0x1082;
	s9 =	sld [smem:$0x3FB6]  }
0x2f: {  	lr =	sadd.s32 s0, s3;
	s0 =	sld [smem:$0x3FAD]  }
0x30: {  	s3 =	sld [smem:$0x3FB0]  }
0x31: {  	[smem:$0x3FB9] =	sst s10  }
0x32: {  	s10 =	sld [smem:$0x3FB7];
	_ =	sdelay $0x3  }
0x33: {  	p0 =	seq.s32 s10, $0x1;
	s10 =	sld [smem:$0x3FB9];
	_ =	sdelay $0x3  }
0x34: {  	[smem:$0x3FB9] =	sst s10  }
0x35: {  	s10 =	sld [smem:$0x3FB8];
	_ =	sdelay $0x3  }
0x36: {  	p1 =	seq.s32 s10, $0x1;
	s10 =	sld [smem:$0x3FB9];
	_ =	sdelay $0x3  }
0x37: {  	[smem:$0x3FB9] =	sst s10  }
0x38: {  	s10 =	sld [smem:$0x3FBA]  }
0x39: {  	_ = 	snop;
	(pc) =	sbr.ind lr, $3  }
0x3a: {  	_ = 	snop  }
0x3b: {  	_ = 	snop  }
0x3c: {  	p2 =	seq.s32 s10, $0x1;
	s10 =	sld [smem:$0x3FB9]  }
0x3d: {  	_ =	shalt  }
0x3e: {  	_ =	shalt  }
0x3f: {  	_ =	shalt  }
0x40: {  	_ =	shalt  }
0x41: {  	_ =	shalt  }
0x42: {  	_ =	shalt  }
0x43: {  	_ =	shalt  }
0x44: {  	_ =	shalt  }
0x45: {  	_ =	shalt  }
0x46: {  	_ =	shalt  }
0x47: {  	_ =	shalt  }
0x48: {  	_ =	shalt  }
0x49: {  	_ =	shalt  }
0x4a: {  	_ =	shalt  }
0x4b: {  	_ =	shalt  }
0x4c: {  	_ =	shalt  }
0x4d: {  	_ =	shalt  }
0x4e: {  	_ =	shalt  }
0x4f: {  	_ =	shalt  }
0x50: {  	_ =	shalt  }
0x51: {  	_ =	shalt  }
0x52: {  	_ =	shalt  }
0x53: {  	_ =	shalt  }
0x54: {  	_ =	shalt  }
0x55: {  	_ =	shalt  }
0x56: {  	_ =	shalt  }
0x57: {  	_ =	shalt  }
0x58: {  	_ =	shalt  }
0x59: {  	_ =	shalt  }
0x5a: {  	_ =	shalt  }
0x5b: {  	_ =	shalt  }
0x5c: {  	_ =	shalt  }
0x5d: {  	_ =	shalt  }
0x5e: {  	_ =	shalt  }
0x5f: {  	_ =	shalt  }
0x60: {  	_ =	shalt  }
0x61: {  	_ =	shalt  }
0x62: {  	_ =	shalt  }
0x63: {  	_ =	shalt  }
0x64: {  	_ =	shalt  }
0x65: {  	_ =	shalt  }
0x66: {  	_ =	shalt  }
0x67: {  	_ =	shalt  }
0x68: {  	_ =	shalt  }
0x69: {  	_ =	shalt  }
0x6a: {  	_ =	shalt  }
0x6b: {  	_ =	shalt  }
0x6c: {  	_ =	shalt  }
0x6d: {  	_ =	shalt  }
0x6e: {  	_ =	shalt  }
0x6f: {  	_ =	shalt  }
0x70: {  	_ =	shalt  }
0x71: {  	_ =	shalt  }
0x72: {  	_ =	shalt  }
0x73: {  	_ =	shalt  }
0x74: {  	_ =	shalt  }
0x75: {  	_ =	shalt  }
0x76: {  	_ =	shalt  }
0x77: {  	_ =	shalt  }
0x78: {  	_ =	shalt  }
0x79: {  	_ =	shalt  }
0x7a: {  	_ =	shalt  }
0x7b: {  	_ =	shalt  }
0x7c: {  	_ =	shalt  }
0x7d: {  	_ =	shalt  }
0x7e: {  	_ =	shalt  }
0x7f: {  	_ =	shalt  }
0x80: {  	_ =	shalt  }
0x81: {  	_ =	shalt  }
0x82: {  	_ =	shalt  }
0x83: {  	_ =	shalt  }
0x84: {  	_ =	shalt  }
0x85: {  	_ =	shalt  }
0x86: {  	_ =	shalt  }
0x87: {  	_ =	shalt  }
.Lfunc_end0:
.L_simem_size_0:
called_computation_lowered:
.L_overlay_start_0:
0x88: {  	s2 =	sld [smem:$0x3FD9]  }
0x89: {  	s3 =	sld [smem:$0x3FFE];
	_ =	sdelay $0x1  }
0x8a: {  	s1 =	srdreg.scid  }
0x8b: {  	s0 =	sand.u32 $0x1, s1  }
0x8c: {  	s17 =	sshll.u32 s0, $0xA;
	s2 =	sadd.s32 s3, s2  }
0x8d: {  	s2 =	sadd.s32 s2, s17  }
0x8e: {  	[smem:$0x3FC5] =	sst s2  }
0x8f: {  	_ = 	snop  }
0x90: {  	s2 =	sld [smem:$0x3FC9]  }
0x91: {  	s18 =	sld [smem:$0x3FC8]  }
0x92: {  	s4 =	sld [smem:$0x3FC7]  }
0x93: {  	s5 =	sld [smem:$0x3FD0];
	(tm) =	ssettm $0x1  }
0x94: {  	s6 =	sld [smem:$0x3FFB];
	_ =	sdelay $0x3  }
0x95: {  	_ =	strace s6  }
0x96: {  	s6 =	sld [smem:$0x3FFC];
	_ =	sdelay $0x3  }
0x97: {  	_ =	strace s6  }
0x98: {  	s6 =	sld [smem:$0x3FFD];
	_ =	sdelay $0x3  }
0x99: {  	_ =	strace s6  }
0x9a: {  	_ =	strace $0x8FFFFFFF  }
0x9b: {  	s19 =	sld [smem:$0x3FDB];
	_ =	sdelay $0x1  }
0x9c: {  	s7 =	simm.s32 $_scs_section_size  }
0x9d: {  	s8 =	simm.s32 $_size__tile_overlayer_lowered;
	s9 =	simm.s32 $_tile_overlayer_lowered  }
0x9e: {  	s22 =	simm.s32 $0x1BFF;
	s21 =	sshll.u32 s9, $0x1;
	s6 =	sadd.s32 s7, s19  }
0x9f: {  	s10 =	simm.s32 $0x0;
	s20 =	sshll.u32 s8, $0x1;
	s8 =	sadd.s32 s21, s6  }
0xa0: {  	[timem:s10], [sflag:s22] =	dma.local [hbm:s8], s20  }
0xa1: {  	_ =	swait.ge [sflag:s22], s20  }
0xa2: {  	s7 =	ssub.s32 $0x0, s20;
	[sflag:s22] =	ssyncset.done $0x0  }
0xa3: {  	[sflag:s22] =	ssyncadd.s32 s7;
	_ =	sdelay $0x1  }
0xa4: {  	s23 =	simm.s32 $0x1B8B  }
0xa5: {  	_ =	swait.ge [sflag:s23], $0x1  }
0xa6: {  	[sflag:s23] =	ssyncset.done $0x0  }
0xa7: {  	s25 =	simm.s32 $0x1B8E;
	s24 =	sld [smem:$0x3FFE];
	[sflag:s23] =	ssyncadd.s32 $0xFFFFFFFF  }
0xa8: {  	s26 =	simm.s32 $execute0_lowered;
	[smem:$0x3FD2] =	sst s25  }
0xa9: {  	s8 =	sshll.u32 s26, $0x1;
	_ =	strace $0x80000046;
	[dreg:$0x1] =	wrdreg $0xFFFFFFFF  }
0xaa: {  	s28 =	simm.s32 $_size_execute0_lowered;
	s6 =	sadd.s32 s6, s8;
	[dreg:$0x0] =	wrdreg $0x0  }
0xab: {  	s8 =	sshll.u32 s28, $0x1;
	[dreg:$0x2] =	wrdreg s6  }
0xac: {  	[dreg:$0x3] =	wrdreg s8  }
0xad: {  	[dreg:$0x4] =	wrdreg $0xC0  }
0xae: {  	_ =	task [dreg:s10], $0x5FFFF  }
0xaf: {  	[dreg:$0x1] =	wrdreg $0xFFFFFFFF  }
0xb0: {  	[dreg:$0x0] =	wrdreg $0x60  }
0xb1: {  	[dreg:$0x2] =	wrdreg s2  }
0xb2: {  	[dreg:$0x3] =	wrdreg s18  }
0xb3: {  	[dreg:$0x4] =	wrdreg s4  }
0xb4: {  	[dreg:$0x5] =	wrdreg s5  }
0xb5: {  	[dreg:$0x6] =	wrdreg s24  }
0xb6: {  	[dreg:$0x7] =	wrdreg $0x9  }
0xb7: {  	_ =	task.clear_ibuf [dreg:s10], $0x8FFFF;
	_ =	strace $0x90000046  }
0xb8: {  	s29 =	simm.s32 $0x9;
	_ =	strace $0x80000048  }
0xb9: {  	_ =	swait.ge [sflag:s29], $0x1  }
0xba: {  	[sflag:s29] =	ssyncadd.s32 $0xFFFFFFFF  }
0xbb: {  	_ =	strace $0x90000048  }
0xbc: {  	_ =	sfence  }
0xbd: {  	s30 =	sld [smem:$0x0];
	_ =	sdelay $0x2  }
0xbe: {  	s31 =	sshll.u32 s1, $0xD;
	s1 =	sshrl.u32 s1, $0x2  }
0xbf: {  	s3 =	sand.u32 $0x4000, s31;
	s1 =	sadd.s32 s1, s30  }
0xc0: {  	s0 =	sor.u32 s3, s0;
	s1 =	sshll.u32 s1, $0x11  }
0xc1: {  	s0 =	sor.u32 s1, s0  }
0xc2: {  	s0 =	sadd.s32 $0x8F2B, s0  }
0xc3: {  	[sflag:s0] =	ssyncadd.remote.s32 $0x1  }
0xc4: {  	_ =	sfence.sel $0xFFFF  }
0xc5: {  	[dreg:$0x0] =	wrdreg $0xFFFFFFFF;
	(pc) =	sbr.abs _section_cstart, $3  }
0xc6: {  	[dreg:$0x1] =	wrdreg $0xFFFFFFFF  }
0xc7: {  	_ =	task.clear_ibuf [dreg:s10], $0x2FFFF;
	_ =	strace $0x9FFFFFFF  }
0xc8: {  	(tm) =	ssettm $0x7FFFFFFF  }
0xc9: {  	_ =	shalt  }
tec
execute0_lowered:
.L_overlay_start_1:
0x0: {  	(tag) =	ssettag $0x1  }
0x1: {  	s5 =	rddreg [dreg:$0x0]  }
0x2: {  	s1 =	rddreg [dreg:$0x1]  }
0x3: {  	s2 =	rddreg [dreg:$0x2]  }
0x4: {  	s3 =	srdreg.scid;
	s7 =	rddreg [dreg:$0x3]  }
0x5: {  	s0 =	stileid.u32;
	s9 =	rddreg [dreg:$0x4];
	s4 =	simm.s32 $0x0  }
0x6: {  	s12 =	simm.s32 $0x12000;
	s6 =	sand.u32 $0x1, s3;
	s30 =	sshll.u32 s0, $0x1  }
0x7: {  	s13 =	simm.s32 $0x80;
	s14 =	simm.s32 $0x400;
	s8 =	sor.u32 s6, s30  }
0x8: {  	s3 =	rddreg [dreg:$0x5];
	s10 =	sshll.u32 s8, $0xC;
	s11 =	sshll.u32 s8, $0x7  }
0x9: {  	s15 =	simm.s32 $0x0;
	[smem:$0x7FF] =	sst s4;
	s11 =	sor.u32 s11, s10  }
0xa: {  	_ =	strace $0x80000047;
	s6 =	ssub.s32 $0x2, s6;
	s11 =	sand.u32 $0x18380, s11  }
0xb: {  	v1 =	vimm.s32 $0x0;
	vm0 =	vcmask $0x300;
	v0 =	vlaneseq.u32;
	s31 =	sshrl.u32 s6, $0x1;
	s8 =	sshll.u32 s8, $0xD;
	s11 =	sshrl.u32 s11, $0x3  }
0xc: {  	v1 =	vsel vm0, $0x7, v1;
	v2 =	vor.u32 $0x10, v0;
	s5 =	sadd.s32 s5, s8;
	s9 =	sadd.s32 s11, s9;
	s11 =	ssub.s32 s6, s31  }
0xd: {  	v3 =	vor.u32 $0x20, v0;
	v4 =	vor.u32 $0x30, v0;
	v5 =	vor.u32 $0x40, v0;
	s6 =	sadd.s32 s7, s10;
	s10 =	simm.s32 $0x1;
	s7 =	sadd.s32 $0x800, s9  }
0xe: {  	v6 =	vor.u32 $0x50, v0;
	v7 =	vor.u32 $0x60, v0;
	v8 =	vor.u32 $0x70, v0;
	s8 =	smax.u32 s11, $0x1;
	s9 =	simm.s32 $0x10000;
	s11 =	simm.s32 $0x11000  }
.LBB2_1:
0xf: {  	[tilespmem:s9], [sflag:$0x1] =	stream.linear.gather [hbm4b:s1+s4], $0x1000, $0x38;
	[tilespmem:$0x1A000] =	vst v63  }
0x10: {  	_ =	swait.ge [sflag:s10], $0x1000  }
0x11: {  	[sflag:s10] =	ssyncset.done $0x0  }
0x12: {  	[sflag:s10] =	ssyncadd.s32 $0xFFFFF000  }
0x13: {  	[tilespmem:s11], [sflag:$0x1] =	stream.linear.gather [hbm4b:s2+s4], $0x1000, $0x38;
	[tilespmem:$0x1A000] =	vst v63  }
0x14: {  	_ =	swait.ge [sflag:s10], $0x1000  }
0x15: {  	[sflag:s10] =	ssyncset.done $0x0  }
0x16: {  	[sflag:s10] =	ssyncadd.s32 $0xFFFFF000  }
0x17: {  	[tilespmem:s4], [sflag:$0x1] =	stream.linear.gather [hbm4b:s5+s4], $0x10000, $0x38;
	[tilespmem:$0x1A000] =	vst v63  }
0x18: {  	_ =	swait.ge [sflag:s10], $0x10000  }
0x19: {  	[sflag:s10] =	ssyncset.done $0x0  }
0x1a: {  	s16 =	simm.s32 $0xF0;
	s17 =	simm.s32 $0x12040;
	[sflag:s10] =	ssyncadd.s32 $0xFFFF0000  }
.LBB2_2:
0x1b: {  	s18 =	sadd.s32 $0xFFFFFF10, s16  }
0x1c: {  	s24 =	sadd.s32 $0xFFFFFF90, s16;
	v9 =	vmov s18  }
0x1d: {  	v10 =	vmov s24;
	v9 =	vshrl.u32 v9, $0x7  }
0x1e: {  	v10 =	vshrl.u32 v10, $0x7;
	v9 =	vshll.u32 v9, v1  }
0x1f: {  	v10 =	vshll.u32 v10, v1;
	v9 =	vbroadcast v9, $0x0  }
0x20: {  	v10 =	vbroadcast v10, $0x0  }
0x21: {  	v11 =	vor.u32 v0, v9  }
0x22: {  	v10 =	vor.u32 v0, v10;
	_ =	sdelay $0x3  }
0x23: {  	v11 =	vld.idx.msk [tilespmem:v11+s4+$0x0], $0xffff  }
0x24: {  	v10 =	vld.idx.msk [tilespmem:v10+s4+$0x0], $0xffff;
	_ =	sdelay $0x6  }
0x25: {  	v12 =	vld.idx.msk [tilespmem:v11+s9+$0x0], $0xffff  }
0x26: {  	v13 =	vld.idx.msk [tilespmem:v10+s11+$0x0], $0xffff  }
0x27: {  	v10 =	vld.idx.msk [tilespmem:v10+s9+$0x0], $0xffff  }
0x28: {  	s25 =	sadd.s32 $0xFFFFFFA0, s16;
	v11 =	vld.idx.msk [tilespmem:v11+s11+$0x0], $0xffff  }
0x29: {  	v14 =	vmov s25  }
0x2a: {  	v14 =	vshrl.u32 v14, $0x7  }
0x2b: {  	v14 =	vshll.u32 v14, v1  }
0x2c: {  	v14 =	vbroadcast v14, $0x0  }
0x2d: {  	v12 =	vmul.f32 v13, v12;
	v10 =	vmul.f32 v11, v10;
	v11 =	vor.u32 v2, v9  }
0x2e: {  	v45 =	vor.u32 v2, v14  }
0x2f: {  	v10 =	vadd.f32 v10, v12;
	_ =	sdelay $0x1  }
0x30: {  	[tilespmem:s17+$0xFFFFFFC0] =	vst v10  }
0x31: {  	v10 =	vld.idx.msk [tilespmem:v11+s4+$0x0], $0xffff  }
0x32: {  	v11 =	vld.idx.msk [tilespmem:v45+s4+$0x0], $0xffff;
	_ =	sdelay $0x6  }
0x33: {  	v46 =	vld.idx.msk [tilespmem:v10+s9+$0x0], $0xffff  }
0x34: {  	v13 =	vld.idx.msk [tilespmem:v11+s11+$0x0], $0xffff  }
0x35: {  	v11 =	vld.idx.msk [tilespmem:v11+s9+$0x0], $0xffff  }
0x36: {  	s26 =	sadd.s32 $0xFFFFFFB0, s16;
	v10 =	vld.idx.msk [tilespmem:v10+s11+$0x0], $0xffff  }
0x37: {  	v47 =	vmov s26  }
0x38: {  	v14 =	vshrl.u32 v47, $0x7  }
0x39: {  	v14 =	vshll.u32 v14, v1  }
0x3a: {  	v14 =	vbroadcast v14, $0x0  }
0x3b: {  	v12 =	vmul.f32 v13, v46;
	v10 =	vmul.f32 v10, v11;
	v11 =	vor.u32 v3, v9  }
0x3c: {  	v48 =	vor.u32 v3, v14  }
0x3d: {  	v10 =	vadd.f32 v10, v12;
	_ =	sdelay $0x1  }
0x3e: {  	[tilespmem:s17+$0xFFFFFFD0] =	vst v10  }
0x3f: {  	v10 =	vld.idx.msk [tilespmem:v11+s4+$0x0], $0xffff  }
0x40: {  	v11 =	vld.idx.msk [tilespmem:v48+s4+$0x0], $0xffff;
	_ =	sdelay $0x6  }
0x41: {  	v49 =	vld.idx.msk [tilespmem:v10+s9+$0x0], $0xffff  }
0x42: {  	v13 =	vld.idx.msk [tilespmem:v11+s11+$0x0], $0xffff  }
0x43: {  	v11 =	vld.idx.msk [tilespmem:v11+s9+$0x0], $0xffff  }
0x44: {  	s28 =	sadd.s32 $0xFFFFFFC0, s16;
	v10 =	vld.idx.msk [tilespmem:v10+s11+$0x0], $0xffff  }
0x45: {  	v50 =	vmov s28  }
0x46: {  	v14 =	vshrl.u32 v50, $0x7  }
0x47: {  	v14 =	vshll.u32 v14, v1  }
0x48: {  	v14 =	vbroadcast v14, $0x0  }
0x49: {  	v12 =	vmul.f32 v13, v49;
	v10 =	vmul.f32 v10, v11;
	v11 =	vor.u32 v4, v9  }
0x4a: {  	v51 =	vor.u32 v4, v14  }
0x4b: {  	v10 =	vadd.f32 v10, v12;
	_ =	sdelay $0x1  }
0x4c: {  	[tilespmem:s17+$0xFFFFFFE0] =	vst v10  }
0x4d: {  	v10 =	vld.idx.msk [tilespmem:v11+s4+$0x0], $0xffff  }
0x4e: {  	v11 =	vld.idx.msk [tilespmem:v51+s4+$0x0], $0xffff;
	_ =	sdelay $0x6  }
0x4f: {  	v52 =	vld.idx.msk [tilespmem:v10+s9+$0x0], $0xffff  }
0x50: {  	v13 =	vld.idx.msk [tilespmem:v11+s11+$0x0], $0xffff  }
0x51: {  	v11 =	vld.idx.msk [tilespmem:v11+s9+$0x0], $0xffff  }
0x52: {  	s29 =	sadd.s32 $0xFFFFFFD0, s16;
	v10 =	vld.idx.msk [tilespmem:v10+s11+$0x0], $0xffff  }
0x53: {  	v53 =	vmov s29  }
0x54: {  	v14 =	vshrl.u32 v53, $0x7  }
0x55: {  	v14 =	vshll.u32 v14, v1  }
0x56: {  	v14 =	vbroadcast v14, $0x0  }
0x57: {  	v12 =	vmul.f32 v13, v52;
	v10 =	vmul.f32 v10, v11;
	v11 =	vor.u32 v5, v9  }
0x58: {  	v54 =	vor.u32 v5, v14  }
0x59: {  	v10 =	vadd.f32 v10, v12;
	_ =	sdelay $0x1  }
0x5a: {  	[tilespmem:s17+$0xFFFFFFF0] =	vst v10  }
0x5b: {  	v10 =	vld.idx.msk [tilespmem:v11+s4+$0x0], $0xffff  }
0x5c: {  	v11 =	vld.idx.msk [tilespmem:v54+s4+$0x0], $0xffff;
	_ =	sdelay $0x6  }
0x5d: {  	v55 =	vld.idx.msk [tilespmem:v10+s9+$0x0], $0xffff  }
0x5e: {  	v13 =	vld.idx.msk [tilespmem:v11+s11+$0x0], $0xffff  }
0x5f: {  	v11 =	vld.idx.msk [tilespmem:v11+s9+$0x0], $0xffff  }
0x60: {  	s30 =	sadd.s32 $0xFFFFFFE0, s16;
	v10 =	vld.idx.msk [tilespmem:v10+s11+$0x0], $0xffff  }
0x61: {  	v56 =	vmov s30  }
0x62: {  	v14 =	vshrl.u32 v56, $0x7  }
0x63: {  	v14 =	vshll.u32 v14, v1  }
0x64: {  	v14 =	vbroadcast v14, $0x0  }
0x65: {  	v12 =	vmul.f32 v13, v55;
	v10 =	vmul.f32 v10, v11;
	v11 =	vor.u32 v6, v9  }
0x66: {  	v57 =	vor.u32 v6, v14  }
0x67: {  	v10 =	vadd.f32 v10, v12;
	_ =	sdelay $0x1  }
0x68: {  	[tilespmem:s17+$0x0] =	vst v10  }
0x69: {  	v10 =	vld.idx.msk [tilespmem:v11+s4+$0x0], $0xffff  }
0x6a: {  	v11 =	vld.idx.msk [tilespmem:v57+s4+$0x0], $0xffff;
	_ =	sdelay $0x6  }
0x6b: {  	v58 =	vld.idx.msk [tilespmem:v10+s9+$0x0], $0xffff  }
0x6c: {  	v13 =	vld.idx.msk [tilespmem:v11+s11+$0x0], $0xffff  }
0x6d: {  	v11 =	vld.idx.msk [tilespmem:v11+s9+$0x0], $0xffff  }
0x6e: {  	s31 =	sadd.s32 $0xFFFFFFF0, s16;
	v10 =	vld.idx.msk [tilespmem:v10+s11+$0x0], $0xffff  }
0x6f: {  	v59 =	vmov s31  }
0x70: {  	v14 =	vshrl.u32 v59, $0x7  }
0x71: {  	v14 =	vshll.u32 v14, v1  }
0x72: {  	v14 =	vbroadcast v14, $0x0  }
0x73: {  	v12 =	vmul.f32 v13, v58;
	v10 =	vmul.f32 v10, v11;
	v11 =	vor.u32 v7, v9  }
0x74: {  	v60 =	vor.u32 v7, v14  }
0x75: {  	v10 =	vadd.f32 v10, v12;
	_ =	sdelay $0x1  }
0x76: {  	[tilespmem:s17+$0x10] =	vst v10  }
0x77: {  	v10 =	vld.idx.msk [tilespmem:v11+s4+$0x0], $0xffff  }
0x78: {  	v11 =	vld.idx.msk [tilespmem:v60+s4+$0x0], $0xffff;
	_ =	sdelay $0x6  }
0x79: {  	v61 =	vld.idx.msk [tilespmem:v10+s9+$0x0], $0xffff  }
0x7a: {  	v13 =	vld.idx.msk [tilespmem:v11+s11+$0x0], $0xffff  }
0x7b: {  	v11 =	vld.idx.msk [tilespmem:v11+s9+$0x0], $0xffff  }
0x7c: {  	v10 =	vld.idx.msk [tilespmem:v10+s11+$0x0], $0xffff  }
0x7d: {  	v62 =	vmov s16  }
0x7e: {  	v14 =	vshrl.u32 v62, $0x7  }
0x7f: {  	v14 =	vshll.u32 v14, v1  }
0x80: {  	v14 =	vbroadcast v14, $0x0  }
0x81: {  	v9 =	vor.u32 v8, v9;
	v12 =	vmul.f32 v13, v61;
	v10 =	vmul.f32 v10, v11  }
0x82: {  	v11 =	vor.u32 v8, v14  }
0x83: {  	v10 =	vadd.f32 v10, v12;
	_ =	sdelay $0x1  }
0x84: {  	[tilespmem:s17+$0x20] =	vst v10  }
0x85: {  	v9 =	vld.idx.msk [tilespmem:v9+s4+$0x0], $0xffff  }
0x86: {  	v10 =	vld.idx.msk [tilespmem:v11+s4+$0x0], $0xffff;
	_ =	sdelay $0x6  }
0x87: {  	v11 =	vld.idx.msk [tilespmem:v9+s9+$0x0], $0xffff  }
0x88: {  	v63 =	vld.idx.msk [tilespmem:v10+s11+$0x0], $0xffff  }
0x89: {  	v10 =	vld.idx.msk [tilespmem:v10+s9+$0x0], $0xffff  }
0x8a: {  	v9 =	vld.idx.msk [tilespmem:v9+s11+$0x0], $0xffff;
	_ =	sdelay $0x3  }
0x8b: {  	p0 =	sne.s32 s16, $0xFFF0  }
.Ltmp0:
0x8c: {  	v11 =	vmul.f32 v63, v11;
	v9 =	vmul.f32 v9, v10;
	(pc) =	sbr.rel @p0 .LBB2_2-.Ltmp0, $3  }
0x8d: {  	_ = 	snop  }
0x8e: {  	v9 =	vadd.f32 v9, v11;
	_ =	sdelay $0x1  }
0x8f: {  	s16 =	sadd.s32 $0x100, s16;
	[tilespmem:s17+$0x30] =	vst v9;
	s17 =	sadd.s32 $0x80, s17  }
0x90: {  	[hbm4b:s6+s4] =	stream.linear.scatter [tilespmem:s12], [sflag:$0x1], $0x8000, $0x38;
	[tilespmem:$0x1A000] =	vst v63  }
0x91: {  	s15 =	sadd.s32 $0x1, s15;
	_ =	swait.ge [sflag:s10], $0x8000  }
0x92: {  	p0 =	sne.s32 s15, s8;
	[sflag:s10] =	ssyncset.done $0x0  }
.Ltmp1:
0x93: {  	[sflag:s10] =	ssyncadd.s32 $0xFFFF8000;
	(pc) =	sbr.rel @p0 .LBB2_1-.Ltmp1, $4  }
0x94: {  	[hbm4b:s7+s13] =	stream.strided.scatter [tilespmem:s9], [sflag:$0x1], $0x1000, s14, s13, $0x38;
	[tilespmem:$0x1A000] =	vst v63  }
0x95: {  	_ =	swait.ge [sflag:s10], $0x1000  }
0x96: {  	[sflag:s10] =	ssyncset.done $0x0  }
0x97: {  	[sflag:s10] =	ssyncadd.s32 $0xFFFFF000  }
0x98: {  	_ =	sfence.sel $0x180000  }
0x99: {  	[bflag:$0x0] =	sbarrier.arrive $0xFFFF  }
0x9a: {  	p0 =	sne.s32 s0, $0x0;
	_ =	strace $0x90000047  }
0x9b: {  	s0 =	sadd.s32 @!p0 $0x100000, s3;
	[bflag:$0x2] =	sbarrier.arrive $0xFFFF  }
0x9c: {  	[sflag:s0] =	ssyncadd.tile.s32 @!p0 $0x1;
	_ =	shalt  }
.Lfunc_end2:
_tile_overlayer_lowered:
.L_overlay_start_2:
0x9d: {  	(tag) =	ssettag $0x2  }
0x9e: {  	s0 =	rddreg [dreg:$0x0];
	s2 =	stileid.u32  }
0x9f: {  	s1 =	rddreg [dreg:$0x1];
	p0 =	sne.s32 s2, $0x0  }
0xa0: {  	s3 =	rddreg [dreg:$0x2];
	[bflag:$0x3] =	sbarrier.arrive $0xFFFF;
	s2 =	simm.s32 @!p0 $0x1C01  }
0xa1: {  	[timem:s3], [sflag:s2] =	dma.local @!p0 [hbm:s0], s1  }
0xa2: {  	s0 =	simm.s32 @!p0 $0x1  }
0xa3: {  	_ =	swait.ge @!p0 [sflag:s0], s1  }
0xa4: {  	s1 =	ssub.s32 @!p0 $0x0, s1;
	[sflag:s0] =	ssyncset.done @!p0 $0x0  }
0xa5: {  	[sflag:s0] =	ssyncadd.s32 @!p0 s1  }
0xa6: {  	[bflag:$0x3] =	sbarrier.arrive $0xFFFF  }
0xa7: {  	_ =	shalt  }

</sc_bundles>
